<compile_context>
chip_gen: v7x
topology: tpu7x:2x2x1
jax: 0.10.2.dev20260603
libtpu: 0.0.44.dev20260713+nightly
codegen_flags: <defaults>
</compile_context>

<pallas_src>
import functools
import math

import jax
import jax.numpy as jnp
import numpy as np
from jax import lax
from jax.experimental import pallas as pl
from jax.experimental.pallas import tpu as pltpu
from jax.experimental.pallas import tpu_sc as plsc

VOCAB_SIZE = 32000
MODEL_DIM = 512
MAX_SEQ_LENGTH = 2048
SCALE = math.sqrt(MODEL_DIM)

NUM_CORES = 2
NUM_SUBCORES = 16
NUM_WORKERS = NUM_CORES * NUM_SUBCORES

BATCH = 4
SEQ = 2048
TOTAL_ROWS = BATCH * SEQ
ROWS_PER_WORKER = TOTAL_ROWS // NUM_WORKERS
CHUNK_ROWS = 64
NUM_CHUNKS = ROWS_PER_WORKER // CHUNK_ROWS

ROW_BLOCK = 2048


def _pos_encoding_np(max_seq_length, model_dim):
    position = np.arange(max_seq_length)[:, None].astype(np.float32)
    div_term = np.exp(
        np.arange(0, model_dim, 2).astype(np.float32)
        * (-math.log(10000.0) / model_dim)
    )
    pe = np.zeros((max_seq_length, model_dim), dtype=np.float32)
    pe[:, 0::2] = np.sin(position * div_term)
    pe[:, 1::2] = np.cos(position * div_term)
    return pe


_PE = _pos_encoding_np(MAX_SEQ_LENGTH, MODEL_DIM)


def _sc_gather_body(idx_hbm, table_hbm, out_hbm, idx_v, rows0, rows1,
                    sem_g0, sem_g1, sem_s0, sem_s1):
    wid = lax.axis_index("s") * NUM_CORES + lax.axis_index("c")
    base = wid * ROWS_PER_WORKER
    b = base // SEQ
    col = base % SEQ

    rows = [rows0, rows1]
    sem_g = [sem_g0, sem_g1]
    sem_s = [sem_s0, sem_s1]

    pltpu.sync_copy(idx_hbm.at[b, pl.ds(col, ROWS_PER_WORKER)], idx_v)

    def fire_gather(c):
        buf = c % 2
        return pltpu.async_copy(
            table_hbm.at[idx_v.at[pl.ds(c * CHUNK_ROWS, CHUNK_ROWS)]],
            rows[buf], sem_g[buf])

    pending = {0: fire_gather(0)}
    stores = {}

    for c in range(NUM_CHUNKS):
        buf = c % 2
        if c - 1 in stores:
            stores.pop(c - 1).wait()
        if c + 1 < NUM_CHUNKS:
            pending[c + 1] = fire_gather(c + 1)
        pending.pop(c).wait()
        stores[c] = pltpu.async_copy(
            rows[buf], out_hbm.at[pl.ds(base + c * CHUNK_ROWS, CHUNK_ROWS)],
            sem_s[buf])

    for c in sorted(stores):
        stores[c].wait()


def _fma_kernel(g_ref, pe_ref, o_ref):
    o_ref[...] = g_ref[...] * SCALE + pe_ref[...]


def _fma_rest_kernel(g_ref, pe_ref, _, o_ref):
    o_ref[...] = g_ref[...] * SCALE + pe_ref[...]


def _sc_gather(x, table):
    mesh = plsc.VectorSubcoreMesh(
        core_axis_name="c", subcore_axis_name="s",
        num_cores=NUM_CORES, num_subcores=NUM_SUBCORES)
    return pl.kernel(
        _sc_gather_body,
        out_type=jax.ShapeDtypeStruct((TOTAL_ROWS, MODEL_DIM), jnp.float32),
        mesh=mesh,
        scratch_types=[
            pltpu.VMEM((ROWS_PER_WORKER,), jnp.int32),
            pltpu.VMEM((CHUNK_ROWS, MODEL_DIM), jnp.float32),
            pltpu.VMEM((CHUNK_ROWS, MODEL_DIM), jnp.float32),
            pltpu.SemaphoreType.DMA,
            pltpu.SemaphoreType.DMA,
            pltpu.SemaphoreType.DMA,
            pltpu.SemaphoreType.DMA,
        ],
    )(x, table)


@jax.jit
def _embed(x, table):
    xi = x.astype(jnp.int32)
    pe = jnp.asarray(_PE)

    g = _sc_gather(xi, table)

    out = pl.pallas_call(
        _fma_kernel,
        out_shape=jax.ShapeDtypeStruct((TOTAL_ROWS, MODEL_DIM), jnp.float32),
        grid=(TOTAL_ROWS // ROW_BLOCK,),
        in_specs=[
            pl.BlockSpec((ROW_BLOCK, MODEL_DIM), lambda i: (i, 0)),
            pl.BlockSpec((ROW_BLOCK, MODEL_DIM), lambda i: (0, 0)),
        ],
        out_specs=pl.BlockSpec((ROW_BLOCK, MODEL_DIM), lambda i: (i, 0)),
        compiler_params=pltpu.CompilerParams(
            dimension_semantics=("arbitrary",),
        ),
    )(g, pe)
    return out.reshape(BATCH, SEQ, MODEL_DIM)


def kernel(x, table):
    return _embed(x, table)

# --- scband reference (transcript-rebuilt; emitter-appended) ---
"""Pipeline reference for scband-embedder-89266600280578 (READ-ONLY COPY).

The authoritative reference and input builder live on the scoring server;
editing this copy changes nothing except your own understanding.
"""

import jax, jax.numpy as jnp
import numpy as np
import math

VOCAB_SIZE = 32000
MODEL_DIM = 512
MAX_SEQ_LENGTH = 2048

def _pos_encoding(max_seq_length, model_dim):
    position = np.arange(max_seq_length)[:, None].astype(np.float32)
    div_term = np.exp(np.arange(0, model_dim, 2).astype(np.float32) * (-math.log(10000.0) / model_dim))
    pe = np.zeros((max_seq_length, model_dim), dtype=np.float32)
    pe[:, 0::2] = np.sin(position * div_term)
    pe[:, 1::2] = np.cos(position * div_term)
    return jnp.asarray(pe)

def setup_inputs(seed: int = 0) -> dict:
    key = jax.random.key(seed)
    k1, k2 = jax.random.split(key)
    x = jax.random.randint(k1, (4, 2048), 0, VOCAB_SIZE, dtype=jnp.int64 if jax.config.jax_enable_x64 else jnp.int32)
    table = jax.random.normal(k2, (VOCAB_SIZE, MODEL_DIM), dtype=jnp.float32)
    return {"x": x, "table": table}

def reference(x, table):
    seq_len = x.shape[1]
    pos_encoding = _pos_encoding(MAX_SEQ_LENGTH, MODEL_DIM)
    token_embeddings = jnp.take(table, x, axis=0)
    position_encodings = pos_encoding[:seq_len, :]
    return token_embeddings * math.sqrt(MODEL_DIM) + position_encodings

if __name__ == "__main__":
    import jax
    _d = setup_inputs()
    print(jax.jit(kernel)(*tuple(_d.values())))

</pallas_src>

<mosaic_0001>
#map = affine_map<(d0, d1) -> (0, 0)>
module attributes {stable_mosaic.version = 14 : i64} {
  func.func @_sc_gather_body(%arg0: i32, %arg1: i32, %arg2: memref<4x2048xi32, #tpu.memory_space<hbm>>, %arg3: memref<32000x512xf32, #tpu.memory_space<hbm>>, %arg4: memref<8192x512xf32, #tpu.memory_space<hbm>>, %arg5: memref<256xi32, #tpu.memory_space<vmem>>, %arg6: memref<64x512xf32, #tpu.memory_space<vmem>>, %arg7: memref<64x512xf32, #tpu.memory_space<vmem>>, %arg8: memref<!tpu.dma_semaphore, #tpu.memory_space<semaphore_mem>>, %arg9: memref<!tpu.dma_semaphore, #tpu.memory_space<semaphore_mem>>, %arg10: memref<!tpu.dma_semaphore, #tpu.memory_space<semaphore_mem>>, %arg11: memref<!tpu.dma_semaphore, #tpu.memory_space<semaphore_mem>>) attributes {dimension_semantics = [#tpu.dimension_semantics<core_parallel>, #tpu.dimension_semantics<subcore_parallel>], iteration_bounds = array<i64: 2, 16>, scalar_prefetch = 0 : i64, scratch_operands = 7 : i64, tpu.core_type = #tpu.core_type<sc_vector_subcore>, window_params = [{transform_indices = #map}, {transform_indices = #map}, {transform_indices = #map}]} {
    %mul3A = arith.constant 2 : i32
    %mul3A_0 = arith.muli %arg1, %mul3A : i32
    %add3A = arith.addi %mul3A_0, %arg0 : i32
    %mul3A_1 = arith.constant 256 : i32
    %mul3A_2 = arith.muli %add3A, %mul3A_1 : i32
    %jit3A = arith.constant 2048 : i32
    %div3A = arith.divsi %mul3A_2, %jit3A : i32
    %sign3A = arith.constant 0 : i32
    %sign3A_3 = arith.cmpi sgt, %mul3A_2, %sign3A : i32
    %sign3A_4 = arith.extui %sign3A_3 : i1 to i32
    %sign3A_5 = arith.constant 0 : i32
    %sign3A_6 = arith.cmpi slt, %mul3A_2, %sign3A_5 : i32
    %sign3A_7 = arith.extui %sign3A_6 : i1 to i32
    %sign3A_8 = arith.subi %sign3A_4, %sign3A_7 : i32
    %sign3A_9 = arith.constant 0 : i32
    %sign3A_10 = arith.cmpi sgt, %jit3A, %sign3A_9 : i32
    %sign3A_11 = arith.extui %sign3A_10 : i1 to i32
    %sign3A_12 = arith.constant 0 : i32
    %sign3A_13 = arith.cmpi slt, %jit3A, %sign3A_12 : i32
    %sign3A_14 = arith.extui %sign3A_13 : i1 to i32
    %sign3A_15 = arith.subi %sign3A_11, %sign3A_14 : i32
    %ne3A = arith.cmpi ne, %sign3A_8, %sign3A_15 : i32
    %rem3A = arith.remsi %mul3A_2, %jit3A : i32
    %ne3A_16 = arith.constant 0 : i32
    %ne3A_17 = arith.cmpi ne, %rem3A, %ne3A_16 : i32
    %and3A = arith.andi %ne3A, %ne3A_17 : i1
    %sub3A = arith.constant 1 : i32
    %sub3A_18 = arith.subi %div3A, %sub3A : i32
    %select_n3A = arith.select %and3A, %sub3A_18, %div3A : i32
    %jit3A_19 = arith.constant 2048 : i32
    %eq3A = arith.constant 0 : i32
    %eq3A_20 = arith.cmpi eq, %jit3A_19, %eq3A : i32
    %jit3A_21 = arith.constant 1 : i32
    %select_n3A_22 = arith.select %eq3A_20, %jit3A_21, %jit3A_19 : i32
    %rem3A_23 = arith.remsi %mul3A_2, %select_n3A_22 : i32
    %ne3A_24 = arith.constant 0 : i32
    %ne3A_25 = arith.cmpi ne, %rem3A_23, %ne3A_24 : i32
    %lt3A = arith.constant 0 : i32
    %lt3A_26 = arith.cmpi slt, %rem3A_23, %lt3A : i32
    %lt3A_27 = arith.constant 0 : i32
    %lt3A_28 = arith.cmpi slt, %select_n3A_22, %lt3A_27 : i32
    %ne3A_29 = arith.xori %lt3A_26, %lt3A_28 : i1
    %and3A_30 = arith.andi %ne3A_29, %ne3A_25 : i1
    %add3A_31 = arith.addi %rem3A_23, %select_n3A_22 : i32
    %select_n3A_32 = arith.select %and3A_30, %add3A_31, %rem3A_23 : i32
    "tpu.region"() ({
      %run_scoped3A = tpu.sem_alloc : memref<!tpu.dma_semaphore, #tpu.memory_space<semaphore_mem>>
      %dma_start3A_111 = tpu.memref_slice %arg2[%select_n3A, %select_n3A_32] : memref<4x2048xi32, #tpu.memory_space<hbm>> -> memref<1x256xi32, #tpu.memory_space<hbm>>
      %dma_start3A_112 = tpu.memref_squeeze %dma_start3A_111 : memref<1x256xi32, #tpu.memory_space<hbm>> -> memref<256xi32, #tpu.memory_space<hbm>>
      %dma_start3A_113 = tpu.memref_slice %arg2[%select_n3A, %select_n3A_32] : memref<4x2048xi32, #tpu.memory_space<hbm>> -> memref<1x256xi32, #tpu.memory_space<hbm>>
      %dma_start3A_114 = tpu.memref_squeeze %dma_start3A_113 : memref<1x256xi32, #tpu.memory_space<hbm>> -> memref<256xi32, #tpu.memory_space<hbm>>
      tpu.enqueue_dma source(%dma_start3A_114 : memref<256xi32, #tpu.memory_space<hbm>>) target(%arg5 : memref<256xi32, #tpu.memory_space<vmem>>) target_semaphore(%run_scoped3A : memref<!tpu.dma_semaphore, #tpu.memory_space<semaphore_mem>>)
      %dma_wait3A_115 = tpu.memref_slice %arg2[%select_n3A, %select_n3A_32] : memref<4x2048xi32, #tpu.memory_space<hbm>> -> memref<1x256xi32, #tpu.memory_space<hbm>>
      %dma_wait3A_116 = tpu.memref_squeeze %dma_wait3A_115 : memref<1x256xi32, #tpu.memory_space<hbm>> -> memref<256xi32, #tpu.memory_space<hbm>>
      %dma_wait3A_117 = tpu.memref_slice %arg2[%select_n3A, %select_n3A_32] : memref<4x2048xi32, #tpu.memory_space<hbm>> -> memref<1x256xi32, #tpu.memory_space<hbm>>
      %dma_wait3A_118 = tpu.memref_squeeze %dma_wait3A_117 : memref<1x256xi32, #tpu.memory_space<hbm>> -> memref<256xi32, #tpu.memory_space<hbm>>
      tpu.wait_dma2 semaphore(%run_scoped3A : memref<!tpu.dma_semaphore, #tpu.memory_space<semaphore_mem>>) src(%dma_wait3A_118 : memref<256xi32, #tpu.memory_space<hbm>>) dst(%arg5 : memref<256xi32, #tpu.memory_space<vmem>>)
      tpu.yield
    }) : () -> ()
    %dma_start3A = arith.constant 0 : i32
    %dma_start3A_33 = tpu.memref_slice %arg5[%dma_start3A] : memref<256xi32, #tpu.memory_space<vmem>> -> memref<64xi32, #tpu.memory_space<vmem>>
    %dma_start3A_34 = arith.constant 0 : i32
    %dma_start3A_35 = arith.constant 0 : i32
    %dma_start3A_36 = tpu.memref_slice %arg3[%dma_start3A_34, %dma_start3A_35] : memref<32000x512xf32, #tpu.memory_space<hbm>> -> memref<32000x512xf32, #tpu.memory_space<hbm>>
    tpu.enqueue_indirect_dma source(%dma_start3A_36 : memref<32000x512xf32, #tpu.memory_space<hbm>>) target(%arg6 : memref<64x512xf32, #tpu.memory_space<vmem>>) offsets(%dma_start3A_33 : memref<64xi32, #tpu.memory_space<vmem>>) semaphore(%arg8 : memref<!tpu.dma_semaphore, #tpu.memory_space<semaphore_mem>>)
    %dma_start3A_37 = arith.constant 64 : i32
    %dma_start3A_38 = tpu.memref_slice %arg5[%dma_start3A_37] : memref<256xi32, #tpu.memory_space<vmem>> -> memref<64xi32, #tpu.memory_space<vmem>>
    %dma_start3A_39 = arith.constant 0 : i32
    %dma_start3A_40 = arith.constant 0 : i32
    %dma_start3A_41 = tpu.memref_slice %arg3[%dma_start3A_39, %dma_start3A_40] : memref<32000x512xf32, #tpu.memory_space<hbm>> -> memref<32000x512xf32, #tpu.memory_space<hbm>>
    tpu.enqueue_indirect_dma source(%dma_start3A_41 : memref<32000x512xf32, #tpu.memory_space<hbm>>) target(%arg7 : memref<64x512xf32, #tpu.memory_space<vmem>>) offsets(%dma_start3A_38 : memref<64xi32, #tpu.memory_space<vmem>>) semaphore(%arg9 : memref<!tpu.dma_semaphore, #tpu.memory_space<semaphore_mem>>)
    %dma_wait3A = arith.constant 0 : i32
    %dma_wait3A_42 = tpu.memref_slice %arg5[%dma_wait3A] : memref<256xi32, #tpu.memory_space<vmem>> -> memref<64xi32, #tpu.memory_space<vmem>>
    %dma_wait3A_43 = arith.constant 0 : i32
    %dma_wait3A_44 = arith.constant 0 : i32
    %dma_wait3A_45 = tpu.memref_slice %arg3[%dma_wait3A_43, %dma_wait3A_44] : memref<32000x512xf32, #tpu.memory_space<hbm>> -> memref<32000x512xf32, #tpu.memory_space<hbm>>
    tpu.wait_indirect_dma semaphore(%arg8 : memref<!tpu.dma_semaphore, #tpu.memory_space<semaphore_mem>>) src(%dma_wait3A_45 : memref<32000x512xf32, #tpu.memory_space<hbm>>) dst(%arg6 : memref<64x512xf32, #tpu.memory_space<vmem>>)
    %add3A_46 = arith.constant 0 : i32
    %add3A_47 = arith.addi %mul3A_2, %add3A_46 : i32
    %dma_start3A_48 = arith.constant 0 : i32
    %dma_start3A_49 = tpu.memref_slice %arg4[%add3A_47, %dma_start3A_48] : memref<8192x512xf32, #tpu.memory_space<hbm>> -> memref<64x512xf32, #tpu.memory_space<hbm>>
    %dma_start3A_50 = arith.constant 0 : i32
    %dma_start3A_51 = tpu.memref_slice %arg4[%add3A_47, %dma_start3A_50] : memref<8192x512xf32, #tpu.memory_space<hbm>> -> memref<64x512xf32, #tpu.memory_space<hbm>>
    tpu.enqueue_dma source(%arg6 : memref<64x512xf32, #tpu.memory_space<vmem>>) target(%dma_start3A_51 : memref<64x512xf32, #tpu.memory_space<hbm>>) target_semaphore(%arg10 : memref<!tpu.dma_semaphore, #tpu.memory_space<semaphore_mem>>)
    %dma_wait3A_52 = arith.constant 0 : i32
    %dma_wait3A_53 = tpu.memref_slice %arg4[%add3A_47, %dma_wait3A_52] : memref<8192x512xf32, #tpu.memory_space<hbm>> -> memref<64x512xf32, #tpu.memory_space<hbm>>
    %dma_wait3A_54 = arith.constant 0 : i32
    %dma_wait3A_55 = tpu.memref_slice %arg4[%add3A_47, %dma_wait3A_54] : memref<8192x512xf32, #tpu.memory_space<hbm>> -> memref<64x512xf32, #tpu.memory_space<hbm>>
    tpu.wait_dma2 semaphore(%arg10 : memref<!tpu.dma_semaphore, #tpu.memory_space<semaphore_mem>>) src(%arg6 : memref<64x512xf32, #tpu.memory_space<vmem>>) dst(%dma_wait3A_55 : memref<64x512xf32, #tpu.memory_space<hbm>>)
    %dma_start3A_56 = arith.constant 128 : i32
    %dma_start3A_57 = tpu.memref_slice %arg5[%dma_start3A_56] : memref<256xi32, #tpu.memory_space<vmem>> -> memref<64xi32, #tpu.memory_space<vmem>>
    %dma_start3A_58 = arith.constant 0 : i32
    %dma_start3A_59 = arith.constant 0 : i32
    %dma_start3A_60 = tpu.memref_slice %arg3[%dma_start3A_58, %dma_start3A_59] : memref<32000x512xf32, #tpu.memory_space<hbm>> -> memref<32000x512xf32, #tpu.memory_space<hbm>>
    tpu.enqueue_indirect_dma source(%dma_start3A_60 : memref<32000x512xf32, #tpu.memory_space<hbm>>) target(%arg6 : memref<64x512xf32, #tpu.memory_space<vmem>>) offsets(%dma_start3A_57 : memref<64xi32, #tpu.memory_space<vmem>>) semaphore(%arg8 : memref<!tpu.dma_semaphore, #tpu.memory_space<semaphore_mem>>)
    %dma_wait3A_61 = arith.constant 64 : i32
    %dma_wait3A_62 = tpu.memref_slice %arg5[%dma_wait3A_61] : memref<256xi32, #tpu.memory_space<vmem>> -> memref<64xi32, #tpu.memory_space<vmem>>
    %dma_wait3A_63 = arith.constant 0 : i32
    %dma_wait3A_64 = arith.constant 0 : i32
    %dma_wait3A_65 = tpu.memref_slice %arg3[%dma_wait3A_63, %dma_wait3A_64] : memref<32000x512xf32, #tpu.memory_space<hbm>> -> memref<32000x512xf32, #tpu.memory_space<hbm>>
    tpu.wait_indirect_dma semaphore(%arg9 : memref<!tpu.dma_semaphore, #tpu.memory_space<semaphore_mem>>) src(%dma_wait3A_65 : memref<32000x512xf32, #tpu.memory_space<hbm>>) dst(%arg7 : memref<64x512xf32, #tpu.memory_space<vmem>>)
    %add3A_66 = arith.constant 64 : i32
    %add3A_67 = arith.addi %mul3A_2, %add3A_66 : i32
    %dma_start3A_68 = arith.constant 0 : i32
    %dma_start3A_69 = tpu.memref_slice %arg4[%add3A_67, %dma_start3A_68] : memref<8192x512xf32, #tpu.memory_space<hbm>> -> memref<64x512xf32, #tpu.memory_space<hbm>>
    %dma_start3A_70 = arith.constant 0 : i32
    %dma_start3A_71 = tpu.memref_slice %arg4[%add3A_67, %dma_start3A_70] : memref<8192x512xf32, #tpu.memory_space<hbm>> -> memref<64x512xf32, #tpu.memory_space<hbm>>
    tpu.enqueue_dma source(%arg7 : memref<64x512xf32, #tpu.memory_space<vmem>>) target(%dma_start3A_71 : memref<64x512xf32, #tpu.memory_space<hbm>>) target_semaphore(%arg11 : memref<!tpu.dma_semaphore, #tpu.memory_space<semaphore_mem>>)
    %dma_wait3A_72 = arith.constant 0 : i32
    %dma_wait3A_73 = tpu.memref_slice %arg4[%add3A_67, %dma_wait3A_72] : memref<8192x512xf32, #tpu.memory_space<hbm>> -> memref<64x512xf32, #tpu.memory_space<hbm>>
    %dma_wait3A_74 = arith.constant 0 : i32
    %dma_wait3A_75 = tpu.memref_slice %arg4[%add3A_67, %dma_wait3A_74] : memref<8192x512xf32, #tpu.memory_space<hbm>> -> memref<64x512xf32, #tpu.memory_space<hbm>>
    tpu.wait_dma2 semaphore(%arg11 : memref<!tpu.dma_semaphore, #tpu.memory_space<semaphore_mem>>) src(%arg7 : memref<64x512xf32, #tpu.memory_space<vmem>>) dst(%dma_wait3A_75 : memref<64x512xf32, #tpu.memory_space<hbm>>)
    %dma_start3A_76 = arith.constant 192 : i32
    %dma_start3A_77 = tpu.memref_slice %arg5[%dma_start3A_76] : memref<256xi32, #tpu.memory_space<vmem>> -> memref<64xi32, #tpu.memory_space<vmem>>
    %dma_start3A_78 = arith.constant 0 : i32
    %dma_start3A_79 = arith.constant 0 : i32
    %dma_start3A_80 = tpu.memref_slice %arg3[%dma_start3A_78, %dma_start3A_79] : memref<32000x512xf32, #tpu.memory_space<hbm>> -> memref<32000x512xf32, #tpu.memory_space<hbm>>
    tpu.enqueue_indirect_dma source(%dma_start3A_80 : memref<32000x512xf32, #tpu.memory_space<hbm>>) target(%arg7 : memref<64x512xf32, #tpu.memory_space<vmem>>) offsets(%dma_start3A_77 : memref<64xi32, #tpu.memory_space<vmem>>) semaphore(%arg9 : memref<!tpu.dma_semaphore, #tpu.memory_space<semaphore_mem>>)
    %dma_wait3A_81 = arith.constant 128 : i32
    %dma_wait3A_82 = tpu.memref_slice %arg5[%dma_wait3A_81] : memref<256xi32, #tpu.memory_space<vmem>> -> memref<64xi32, #tpu.memory_space<vmem>>
    %dma_wait3A_83 = arith.constant 0 : i32
    %dma_wait3A_84 = arith.constant 0 : i32
    %dma_wait3A_85 = tpu.memref_slice %arg3[%dma_wait3A_83, %dma_wait3A_84] : memref<32000x512xf32, #tpu.memory_space<hbm>> -> memref<32000x512xf32, #tpu.memory_space<hbm>>
    tpu.wait_indirect_dma semaphore(%arg8 : memref<!tpu.dma_semaphore, #tpu.memory_space<semaphore_mem>>) src(%dma_wait3A_85 : memref<32000x512xf32, #tpu.memory_space<hbm>>) dst(%arg6 : memref<64x512xf32, #tpu.memory_space<vmem>>)
    %add3A_86 = arith.constant 128 : i32
    %add3A_87 = arith.addi %mul3A_2, %add3A_86 : i32
    %dma_start3A_88 = arith.constant 0 : i32
    %dma_start3A_89 = tpu.memref_slice %arg4[%add3A_87, %dma_start3A_88] : memref<8192x512xf32, #tpu.memory_space<hbm>> -> memref<64x512xf32, #tpu.memory_space<hbm>>
    %dma_start3A_90 = arith.constant 0 : i32
    %dma_start3A_91 = tpu.memref_slice %arg4[%add3A_87, %dma_start3A_90] : memref<8192x512xf32, #tpu.memory_space<hbm>> -> memref<64x512xf32, #tpu.memory_space<hbm>>
    tpu.enqueue_dma source(%arg6 : memref<64x512xf32, #tpu.memory_space<vmem>>) target(%dma_start3A_91 : memref<64x512xf32, #tpu.memory_space<hbm>>) target_semaphore(%arg10 : memref<!tpu.dma_semaphore, #tpu.memory_space<semaphore_mem>>)
    %dma_wait3A_92 = arith.constant 0 : i32
    %dma_wait3A_93 = tpu.memref_slice %arg4[%add3A_87, %dma_wait3A_92] : memref<8192x512xf32, #tpu.memory_space<hbm>> -> memref<64x512xf32, #tpu.memory_space<hbm>>
    %dma_wait3A_94 = arith.constant 0 : i32
    %dma_wait3A_95 = tpu.memref_slice %arg4[%add3A_87, %dma_wait3A_94] : memref<8192x512xf32, #tpu.memory_space<hbm>> -> memref<64x512xf32, #tpu.memory_space<hbm>>
    tpu.wait_dma2 semaphore(%arg10 : memref<!tpu.dma_semaphore, #tpu.memory_space<semaphore_mem>>) src(%arg6 : memref<64x512xf32, #tpu.memory_space<vmem>>) dst(%dma_wait3A_95 : memref<64x512xf32, #tpu.memory_space<hbm>>)
    %dma_wait3A_96 = arith.constant 192 : i32
    %dma_wait3A_97 = tpu.memref_slice %arg5[%dma_wait3A_96] : memref<256xi32, #tpu.memory_space<vmem>> -> memref<64xi32, #tpu.memory_space<vmem>>
    %dma_wait3A_98 = arith.constant 0 : i32
    %dma_wait3A_99 = arith.constant 0 : i32
    %dma_wait3A_100 = tpu.memref_slice %arg3[%dma_wait3A_98, %dma_wait3A_99] : memref<32000x512xf32, #tpu.memory_space<hbm>> -> memref<32000x512xf32, #tpu.memory_space<hbm>>
    tpu.wait_indirect_dma semaphore(%arg9 : memref<!tpu.dma_semaphore, #tpu.memory_space<semaphore_mem>>) src(%dma_wait3A_100 : memref<32000x512xf32, #tpu.memory_space<hbm>>) dst(%arg7 : memref<64x512xf32, #tpu.memory_space<vmem>>)
    %add3A_101 = arith.constant 192 : i32
    %add3A_102 = arith.addi %mul3A_2, %add3A_101 : i32
    %dma_start3A_103 = arith.constant 0 : i32
    %dma_start3A_104 = tpu.memref_slice %arg4[%add3A_102, %dma_start3A_103] : memref<8192x512xf32, #tpu.memory_space<hbm>> -> memref<64x512xf32, #tpu.memory_space<hbm>>
    %dma_start3A_105 = arith.constant 0 : i32
    %dma_start3A_106 = tpu.memref_slice %arg4[%add3A_102, %dma_start3A_105] : memref<8192x512xf32, #tpu.memory_space<hbm>> -> memref<64x512xf32, #tpu.memory_space<hbm>>
    tpu.enqueue_dma source(%arg7 : memref<64x512xf32, #tpu.memory_space<vmem>>) target(%dma_start3A_106 : memref<64x512xf32, #tpu.memory_space<hbm>>) target_semaphore(%arg11 : memref<!tpu.dma_semaphore, #tpu.memory_space<semaphore_mem>>)
    %dma_wait3A_107 = arith.constant 0 : i32
    %dma_wait3A_108 = tpu.memref_slice %arg4[%add3A_102, %dma_wait3A_107] : memref<8192x512xf32, #tpu.memory_space<hbm>> -> memref<64x512xf32, #tpu.memory_space<hbm>>
    %dma_wait3A_109 = arith.constant 0 : i32
    %dma_wait3A_110 = tpu.memref_slice %arg4[%add3A_102, %dma_wait3A_109] : memref<8192x512xf32, #tpu.memory_space<hbm>> -> memref<64x512xf32, #tpu.memory_space<hbm>>
    tpu.wait_dma2 semaphore(%arg11 : memref<!tpu.dma_semaphore, #tpu.memory_space<semaphore_mem>>) src(%arg7 : memref<64x512xf32, #tpu.memory_space<vmem>>) dst(%dma_wait3A_110 : memref<64x512xf32, #tpu.memory_space<hbm>>)
    return
  }
}

module attributes {stable_mosaic.version = 14 : i64} {
  func.func @_fma_kernel(%arg0: i32, %arg1: memref<2048x512xf32, #tpu.memory_space<vmem>>, %arg2: memref<2048x512xf32, #tpu.memory_space<vmem>>, %arg3: memref<2048x512xf32, #tpu.memory_space<vmem>>) attributes {dimension_semantics = [#tpu.dimension_semantics<arbitrary>], iteration_bounds = array<i64: 4>, scalar_prefetch = 0 : i64, scratch_operands = 0 : i64, tpu.core_type = #tpu.core_type<tc>, window_params = [{transform_indices = @transform_0, window_bounds = array<i64: 2048, 512>}, {pipeline_mode = #tpu.pipeline_mode<synchronous>, transform_indices = @transform_1, window_bounds = array<i64: 2048, 512>}, {transform_indices = @transform_2, window_bounds = array<i64: 2048, 512>}]} {
    %get3A = arith.constant 0 : index
    %get3A_0 = arith.constant 0 : index
    %get3A_1 = vector.load %arg1[%get3A, %get3A_0] : memref<2048x512xf32, #tpu.memory_space<vmem>>, vector<2048x512xf32>
    %mul3A = arith.constant 22.6274166 : f32
    %mul3A_2 = vector.broadcast %mul3A : f32 to vector<2048x512xf32>
    %mul3A_3 = arith.mulf %get3A_1, %mul3A_2 : vector<2048x512xf32>
    %get3A_4 = arith.constant 0 : index
    %get3A_5 = arith.constant 0 : index
    %get3A_6 = vector.load %arg2[%get3A_4, %get3A_5] : memref<2048x512xf32, #tpu.memory_space<vmem>>, vector<2048x512xf32>
    %add3A = arith.addf %mul3A_3, %get3A_6 : vector<2048x512xf32>
    %swap3A = arith.constant 0 : index
    %swap3A_7 = arith.constant 0 : index
    %swap3A_8 = vector.load %arg3[%swap3A, %swap3A_7] : memref<2048x512xf32, #tpu.memory_space<vmem>>, vector<2048x512xf32>
    tpu.vector_store %arg3[%swap3A, %swap3A_7], %add3A {strides = array<i32>} : memref<2048x512xf32, #tpu.memory_space<vmem>>, vector<2048x512xf32>,
    return
  }
  func.func @transform_0(%arg0: i32) -> (i32, i32) {
    %c0_i32 = arith.constant 0 : i32
    %c0_i32_0 = arith.constant 0 : i32
    return %arg0, %c0_i32 : i32, i32
  }
  func.func @transform_1(%arg0: i32) -> (i32, i32) {
    %c0_i32 = arith.constant 0 : i32
    %c0_i32_0 = arith.constant 0 : i32
    %c0_i32_1 = arith.constant 0 : i32
    return %c0_i32, %c0_i32_0 : i32, i32
  }
  func.func @transform_2(%arg0: i32) -> (i32, i32) {
    %c0_i32 = arith.constant 0 : i32
    %c0_i32_0 = arith.constant 0 : i32
    return %arg0, %c0_i32 : i32, i32
  }
}

</mosaic_0001>

<sc_bundles>
// kernel: _embed.4.cloned.1.call-start
scs
__scs_entry_jumppad:
0x0: {  	(pc) =	sbr.rel $0x88, $3  }
0x1: {  	(tag) =	ssettag $0x0;
	lr =	simm.s32 $0x1  }
0x2: {  	[smem:$0x3F9F] =	sst lr;
	_ =	strace $0xD0000000  }
0x3: {  	_ = 	snop  }
0x4: {  	_ = 	snop  }
0x5: {  	_ = 	snop  }
0x6: {  	_ = 	snop  }
0x7: {  	_ = 	snop  }
__scs_overlays_trampoline_lowered:
0x8: {  	[smem:$0x3FAE] =	sst s0  }
0x9: {  	[smem:$0x3FAF] =	sst s1  }
0xa: {  	[smem:$0x3FB0] =	sst s2  }
0xb: {  	[smem:$0x3FB1] =	sst s3  }
0xc: {  	[smem:$0x3FB2] =	sst s4  }
0xd: {  	[smem:$0x3FB3] =	sst s5  }
0xe: {  	[smem:$0x3FB4] =	sst s6  }
0xf: {  	[smem:$0x3FB5] =	sst s7  }
0x10: {  	[smem:$0x3FB6] =	sst s8  }
0x11: {  	[smem:$0x3FB7] =	sst s9;
	s0 =	simm.s32 @!p0 $0x0  }
0x12: {  	s1 =	sld [smem:$0x3F9D];
	s0 =	simm.s32 @p0 $0x1  }
0x13: {  	[smem:$0x3FB8] =	sst s0;
	s0 =	simm.s32 @!p1 $0x0  }
0x14: {  	s2 =	sld [smem:$0x3F9C];
	s0 =	simm.s32 @p1 $0x1  }
0x15: {  	[smem:$0x3FB9] =	sst s0;
	s0 =	simm.s32 @!p2 $0x0  }
0x16: {  	s3 =	sld [smem:$0x3FDB];
	s0 =	simm.s32 @p2 $0x1  }
0x17: {  	s4 =	simm.s32 $0x1BF5;
	[smem:$0x3FBB] =	sst s0  }
0x18: {  	s0 =	sld [smem:$0x3F9E];
	_ =	swait.ge [sflag:s4], $0x0  }
0x19: {  	s7 =	sld [smem:$0x3F9F]  }
0x1a: {  	s8 =	sadd.s32 $0xFFFFE003, lr  }
0x1b: {  	s9 =	sadd.s32 $0xFFFFFEF7, lr;
	s5 =	simm.s32 $0xFFFFFFFF;
	p2 =	slt.u32 s8, $0xFFFFF086  }
0x1c: {  	p1 =	slt.u32 s9, $0xF7A;
	s5 =	simm.s32 @!p2 $0x0  }
0x1d: {  	s5 =	simm.s32 @p1 $0x1;
	p0 =	seq.s32 s7, s2  }
0x1e: {  	s7 =	smul.u32 @!p0 $0xF7A, s2;
	p2 =	seq.s32 @!p0 s5, $0x0  }
0x1f: {  	s9 =	smul.u32 $0xF7A, s1;
	s8 =	simm.s32 @!p0 $0x1BF5;
	p2 =	por !p2, p0  }
0x20: {  	[sflag:s8] =	ssyncset.s32 @!p0 $0xFFFFF086;
	s6 =	sadd.s32 @!p0 s3, s7;
	s7 =	simm.s32 @!p0 $0x108  }
0x21: {  	s3 =	sadd.s32 s3, s9;
	s6 =	sadd.s32 @!p0 $0x88, s6;
	s7 =	simm.s32 @p2 $0x1082  }
0x22: {  	[simem:s7], [sflag:s8] =	dma.local @!p0 [hbm:s6], $0xF7A  }
0x23: {  	s9 =	sor.u32 $0xD0000000, s2;
	s6 =	simm.s32 $0x108;
	_ =	swait.ge @!p0 [sflag:s8], $0x0  }
0x24: {  	s3 =	sadd.s32 $0x88, s3;
	s6 =	simm.s32 @!p1 $0x1082;
	[sflag:s4] =	ssyncset.s32 $0xFFFFF086  }
0x25: {  	[simem:s6], [sflag:s4] =	dma.local [hbm:s3], $0xF7A  }
0x26: {  	[smem:$0x3F9F] =	sst s1;
	(tag) =	ssettag s2;
	_ =	strace s9  }
0x27: {  	s1 =	sld [smem:$0x3FAF]  }
0x28: {  	s2 =	sld [smem:$0x3FB0]  }
0x29: {  	s4 =	sld [smem:$0x3FB2]  }
0x2a: {  	p0 =	seq.s32 s5, $0x0;
	s5 =	sld [smem:$0x3FB3]  }
0x2b: {  	s6 =	sld [smem:$0x3FB4]  }
0x2c: {  	s7 =	sld [smem:$0x3FB5]  }
0x2d: {  	s3 =	simm.s32 $0x108;
	s8 =	sld [smem:$0x3FB6]  }
0x2e: {  	s3 =	simm.s32 @!p0 $0x1082;
	s9 =	sld [smem:$0x3FB7]  }
0x2f: {  	lr =	sadd.s32 s0, s3;
	s0 =	sld [smem:$0x3FAE]  }
0x30: {  	s3 =	sld [smem:$0x3FB1]  }
0x31: {  	[smem:$0x3FBA] =	sst s10  }
0x32: {  	s10 =	sld [smem:$0x3FB8];
	_ =	sdelay $0x3  }
0x33: {  	p0 =	seq.s32 s10, $0x1;
	s10 =	sld [smem:$0x3FBA];
	_ =	sdelay $0x3  }
0x34: {  	[smem:$0x3FBA] =	sst s10  }
0x35: {  	s10 =	sld [smem:$0x3FB9];
	_ =	sdelay $0x3  }
0x36: {  	p1 =	seq.s32 s10, $0x1;
	s10 =	sld [smem:$0x3FBA];
	_ =	sdelay $0x3  }
0x37: {  	[smem:$0x3FBA] =	sst s10  }
0x38: {  	s10 =	sld [smem:$0x3FBB]  }
0x39: {  	_ = 	snop;
	(pc) =	sbr.ind lr, $3  }
0x3a: {  	_ = 	snop  }
0x3b: {  	_ = 	snop  }
0x3c: {  	p2 =	seq.s32 s10, $0x1;
	s10 =	sld [smem:$0x3FBA]  }
0x3d: {  	_ =	shalt  }
0x3e: {  	_ =	shalt  }
0x3f: {  	_ =	shalt  }
0x40: {  	_ =	shalt  }
0x41: {  	_ =	shalt  }
0x42: {  	_ =	shalt  }
0x43: {  	_ =	shalt  }
0x44: {  	_ =	shalt  }
0x45: {  	_ =	shalt  }
0x46: {  	_ =	shalt  }
0x47: {  	_ =	shalt  }
0x48: {  	_ =	shalt  }
0x49: {  	_ =	shalt  }
0x4a: {  	_ =	shalt  }
0x4b: {  	_ =	shalt  }
0x4c: {  	_ =	shalt  }
0x4d: {  	_ =	shalt  }
0x4e: {  	_ =	shalt  }
0x4f: {  	_ =	shalt  }
0x50: {  	_ =	shalt  }
0x51: {  	_ =	shalt  }
0x52: {  	_ =	shalt  }
0x53: {  	_ =	shalt  }
0x54: {  	_ =	shalt  }
0x55: {  	_ =	shalt  }
0x56: {  	_ =	shalt  }
0x57: {  	_ =	shalt  }
0x58: {  	_ =	shalt  }
0x59: {  	_ =	shalt  }
0x5a: {  	_ =	shalt  }
0x5b: {  	_ =	shalt  }
0x5c: {  	_ =	shalt  }
0x5d: {  	_ =	shalt  }
0x5e: {  	_ =	shalt  }
0x5f: {  	_ =	shalt  }
0x60: {  	_ =	shalt  }
0x61: {  	_ =	shalt  }
0x62: {  	_ =	shalt  }
0x63: {  	_ =	shalt  }
0x64: {  	_ =	shalt  }
0x65: {  	_ =	shalt  }
0x66: {  	_ =	shalt  }
0x67: {  	_ =	shalt  }
0x68: {  	_ =	shalt  }
0x69: {  	_ =	shalt  }
0x6a: {  	_ =	shalt  }
0x6b: {  	_ =	shalt  }
0x6c: {  	_ =	shalt  }
0x6d: {  	_ =	shalt  }
0x6e: {  	_ =	shalt  }
0x6f: {  	_ =	shalt  }
0x70: {  	_ =	shalt  }
0x71: {  	_ =	shalt  }
0x72: {  	_ =	shalt  }
0x73: {  	_ =	shalt  }
0x74: {  	_ =	shalt  }
0x75: {  	_ =	shalt  }
0x76: {  	_ =	shalt  }
0x77: {  	_ =	shalt  }
0x78: {  	_ =	shalt  }
0x79: {  	_ =	shalt  }
0x7a: {  	_ =	shalt  }
0x7b: {  	_ =	shalt  }
0x7c: {  	_ =	shalt  }
0x7d: {  	_ =	shalt  }
0x7e: {  	_ =	shalt  }
0x7f: {  	_ =	shalt  }
0x80: {  	_ =	shalt  }
0x81: {  	_ =	shalt  }
0x82: {  	_ =	shalt  }
0x83: {  	_ =	shalt  }
0x84: {  	_ =	shalt  }
0x85: {  	_ =	shalt  }
0x86: {  	_ =	shalt  }
0x87: {  	_ =	shalt  }
.Lfunc_end0:
.L_simem_size_0:
called_computation_lowered:
.L_overlay_start_0:
0x88: {  	s2 =	sld [smem:$0x3FD9]  }
0x89: {  	s3 =	sld [smem:$0x3FFE];
	_ =	sdelay $0x1  }
0x8a: {  	s1 =	srdreg.scid  }
0x8b: {  	s0 =	sand.u32 $0x1, s1  }
0x8c: {  	s18 =	sshll.u32 s0, $0xA;
	s2 =	sadd.s32 s3, s2  }
0x8d: {  	s2 =	sadd.s32 s2, s18  }
0x8e: {  	[smem:$0x3FC6] =	sst s2  }
0x8f: {  	_ = 	snop  }
0x90: {  	s2 =	sld [smem:$0x3FC9]  }
0x91: {  	s19 =	sld [smem:$0x3FC8]  }
0x92: {  	s4 =	sld [smem:$0x3FD0];
	(tm) =	ssettm $0x1  }
0x93: {  	s5 =	sld [smem:$0x3FFB];
	_ =	sdelay $0x3  }
0x94: {  	_ =	strace s5  }
0x95: {  	s5 =	sld [smem:$0x3FFC];
	_ =	sdelay $0x3  }
0x96: {  	_ =	strace s5  }
0x97: {  	s5 =	sld [smem:$0x3FFD];
	_ =	sdelay $0x3  }
0x98: {  	_ =	strace s5  }
0x99: {  	_ =	strace $0x8FFFFFFF  }
0x9a: {  	s20 =	sld [smem:$0x3FDB];
	_ =	sdelay $0x1  }
0x9b: {  	s6 =	simm.s32 $_scs_section_size  }
0x9c: {  	s7 =	simm.s32 $_size__tile_overlayer_lowered;
	s8 =	simm.s32 $_tile_overlayer_lowered  }
0x9d: {  	s23 =	simm.s32 $0x1BFF;
	s22 =	sshll.u32 s8, $0x1;
	s5 =	sadd.s32 s6, s20  }
0x9e: {  	s9 =	simm.s32 $0x0;
	s21 =	sshll.u32 s7, $0x1;
	s7 =	sadd.s32 s22, s5  }
0x9f: {  	[timem:s9], [sflag:s23] =	dma.local [hbm:s7], s21  }
0xa0: {  	_ =	swait.ge [sflag:s23], s21  }
0xa1: {  	s6 =	ssub.s32 $0x0, s21;
	[sflag:s23] =	ssyncset.done $0x0  }
0xa2: {  	[sflag:s23] =	ssyncadd.s32 s6;
	_ =	sdelay $0x1  }
0xa3: {  	s24 =	simm.s32 $0x1B8B  }
0xa4: {  	_ =	swait.ge [sflag:s24], $0x1  }
0xa5: {  	[sflag:s24] =	ssyncset.done $0x0  }
0xa6: {  	s25 =	simm.s32 $0x1B8E;
	[sflag:s24] =	ssyncadd.s32 $0xFFFFFFFF  }
0xa7: {  	s26 =	simm.s32 $execute0_lowered;
	[smem:$0x3FD2] =	sst s25  }
0xa8: {  	s6 =	sshll.u32 s26, $0x1;
	_ =	strace $0x80000046;
	[dreg:$0x1] =	wrdreg $0xFFFFFFFF  }
0xa9: {  	s28 =	simm.s32 $_size_execute0_lowered;
	s5 =	sadd.s32 s5, s6;
	[dreg:$0x0] =	wrdreg $0x0  }
0xaa: {  	s6 =	sshll.u32 s28, $0x1;
	[dreg:$0x2] =	wrdreg s5  }
0xab: {  	[dreg:$0x3] =	wrdreg s6  }
0xac: {  	[dreg:$0x4] =	wrdreg $0xC0  }
0xad: {  	_ =	task [dreg:s9], $0x5FFFF  }
0xae: {  	[dreg:$0x1] =	wrdreg $0xFFFFFFFF  }
0xaf: {  	[dreg:$0x0] =	wrdreg $0x60  }
0xb0: {  	[dreg:$0x2] =	wrdreg s2  }
0xb1: {  	[dreg:$0x3] =	wrdreg s19  }
0xb2: {  	[dreg:$0x4] =	wrdreg s4  }
0xb3: {  	[dreg:$0x5] =	wrdreg $0x9  }
0xb4: {  	_ =	task.clear_ibuf [dreg:s9], $0x6FFFF;
	_ =	strace $0x90000046  }
0xb5: {  	s29 =	simm.s32 $0x9;
	_ =	strace $0x80000048  }
0xb6: {  	_ =	swait.ge [sflag:s29], $0x1  }
0xb7: {  	[sflag:s29] =	ssyncadd.s32 $0xFFFFFFFF  }
0xb8: {  	_ =	strace $0x90000048  }
0xb9: {  	_ =	sfence  }
0xba: {  	s30 =	sld [smem:$0x0];
	_ =	sdelay $0x2  }
0xbb: {  	s31 =	sshll.u32 s1, $0xD;
	s1 =	sshrl.u32 s1, $0x2  }
0xbc: {  	s3 =	sand.u32 $0x4000, s31;
	s1 =	sadd.s32 s1, s30  }
0xbd: {  	s0 =	sor.u32 s3, s0;
	s1 =	sshll.u32 s1, $0x11  }
0xbe: {  	s0 =	sor.u32 s1, s0  }
0xbf: {  	s0 =	sadd.s32 $0x8F2B, s0  }
0xc0: {  	[sflag:s0] =	ssyncadd.remote.s32 $0x1  }
0xc1: {  	_ =	sfence.sel $0xFFFF  }
0xc2: {  	[dreg:$0x0] =	wrdreg $0xFFFFFFFF;
	(pc) =	sbr.abs _section_cstart, $3  }
0xc3: {  	[dreg:$0x1] =	wrdreg $0xFFFFFFFF  }
0xc4: {  	_ =	task.clear_ibuf [dreg:s9], $0x2FFFF;
	_ =	strace $0x9FFFFFFF  }
0xc5: {  	(tm) =	ssettm $0x7FFFFFFF  }
tec
execute0_lowered:
.L_overlay_start_1:
0x0: {  	(tag) =	ssettag $0x1  }
0x1: {  	s0 =	srdreg.scid;
	s4 =	rddreg [dreg:$0x0]  }
0x2: {  	s5 =	stileid.u32;
	s6 =	rddreg [dreg:$0x2]  }
0x3: {  	s25 =	simm.s32 $0x80;
	s26 =	simm.s32 $0x200;
	s7 =	simm.s32 $0x1  }
0x4: {  	s17 =	simm.s32 $0x3;
	s18 =	simm.s32 $0x2;
	s19 =	simm.s32 $0x4  }
0x5: {  	s28 =	simm.s32 $0x3900;
	s29 =	simm.s32 $0x4100;
	s30 =	simm.s32 $0x4900  }
0x6: {  	s31 =	simm.s32 $0x5100;
	s9 =	simm.s32 $0x6900;
	s10 =	simm.s32 $0x7100  }
0x7: {  	s11 =	simm.s32 $0x7900;
	s16 =	simm.s32 $0x8100;
	s0 =	sand.u32 $0x1, s0  }
0x8: {  	s12 =	simm.s32 $0x8900;
	s1 =	sshll.u32 s5, $0x9;
	s2 =	sshll.u32 s0, $0x8  }
0x9: {  	s13 =	simm.s32 $0x9100;
	s5 =	sshll.u32 s5, $0x5;
	s1 =	sor.u32 s2, s1  }
0xa: {  	s2 =	rddreg [dreg:$0x1];
	s3 =	sshll.u32 s1, $0x2;
	s1 =	sshll.u32 s1, $0x6  }
0xb: {  	s5 =	sor.u32 s5, s3;
	s3 =	simm.s32 $0x0;
	s21 =	sadd.s32 s6, s1  }
0xc: {  	s14 =	simm.s32 $0x9900;
	[smem:$0x7FF] =	sst s3;
	s1 =	sadd.s32 $0x1000, s21  }
0xd: {  	s22 =	sadd.s32 $0x2000, s21;
	_ =	strace $0x80000047;
	[dreg:$0x5] =	wrdreg s1  }
0xe: {  	s15 =	simm.s32 $0xA100;
	s0 =	ssub.s32 $0x2, s0;
	[dreg:$0x6] =	wrdreg s22  }
0xf: {  	s23 =	sshrl.u32 s0, $0x1;
	s24 =	sadd.s32 $0x3000, s21;
	[dreg:$0xa] =	wrdreg s21  }
0x10: {  	s0 =	ssub.s32 s0, s23;
	s5 =	sand.u32 $0x1D80, s5;
	[dreg:$0x7] =	wrdreg s24  }
0x11: {  	s6 =	smax.u32 s0, $0x1;
	s5 =	sshrl.u32 s5, $0x3;
	[dreg:$0x8] =	wrdreg s25  }
0x12: {  	v2 =	vlaneseq.u32;
	[dreg:$0x9] =	wrdreg s26;
	s25 =	simm.s32 $0x2900;
	s26 =	simm.s32 $0x3100  }
0x13: {  	vm0 =	vmmov $0xffff;
	v1 =	vshrl.u32 v2, $0x3;
	s1 =	simm.s32 $0x5900;
	s24 =	simm.s32 $0x100;
	s5 =	sadd.s32 s4, s5  }
0x14: {  	v0 =	vand.u32 $0x7, v2;
	v2 =	vor.u32 $0x8, v2;
	v1 =	vmul.u32 $0x8, v1;
	s4 =	simm.s32 $0x2100;
	[dreg:$0x4] =	wrdreg s5;
	s5 =	sadd.s32 $0x100, s2  }
.LBB2_1:
0x15: {  	s20 =	rddreg [dreg:$0x4]  }
0x16: {  	s21 =	rddreg [dreg:$0x8]  }
0x17: {  	s22 =	rddreg [dreg:$0x9];
	s0 =	simm.s32 $0x5  }
0x18: {  	[tilespmem:s3], [sflag:$0x5] =	stream.strided.gather [hbm4b:s20+s21], $0x100, s22, s21, $0x38;
	[tilespmem:$0x10100] =	vst v63  }
0x19: {  	_ =	swait.ge [sflag:s0], $0x100  }
0x1a: {  	[sflag:s0] =	ssyncset.done $0x0  }
0x1b: {  	[sflag:s0] =	ssyncadd.s32 $0xFFFFFF00  }
0x1c: {  	v3 =	vld [tilespmem:$0x0];
	_ =	sdelay $0x4  }
0x1d: {  	v4 =	vshll.u32 v3, $0x2  }
0x1e: {  	v3 =	vand.u32 $0x7, v3;
	v4 =	vand.u32 $0xFFFFFFE0, v4  }
0x1f: {  	v3 =	vor.u32 v3, v4  }
0x20: {  	v4 =	vperm.xlane v3, v0;
	_ =	sdelay $0x1  }
0x21: {  	v4 =	vadd.s32 v1, v4;
	_ =	sdelay $0x1  }
0x22: {  	v3 =	vperm.xlane v3, v2;
	_ =	sdelay $0x1  }
0x23: {  	s23 =	simm.s32 $0x100;
	v3 =	vadd.s32 v1, v3  }
0x24: {  	[tilespmem:s23], [sflag:$0x1] =	stream.indirect_vreg.gather [hbm4b:s2+s3], $0x80, v4, vm0, $0xb8;
	[tilespmem:$0x10100] =	vst v63  }
0x25: {  	s20 =	simm.s32 $0x900  }
0x26: {  	[tilespmem:s20], [sflag:$0x1] =	stream.indirect_vreg.gather [hbm4b:s5+s3], $0x80, v4, vm0, $0xb8;
	[tilespmem:$0x10100] =	vst v63  }
0x27: {  	s21 =	simm.s32 $0x1100  }
0x28: {  	[tilespmem:s21], [sflag:$0x1] =	stream.indirect_vreg.gather [hbm4b:s2+s3], $0x80, v3, vm0, $0xb8;
	[tilespmem:$0x10100] =	vst v63  }
0x29: {  	s22 =	simm.s32 $0x1900  }
0x2a: {  	[tilespmem:s22], [sflag:$0x1] =	stream.indirect_vreg.gather [hbm4b:s5+s3], $0x80, v3, vm0, $0xb8;
	[tilespmem:$0x10100] =	vst v63  }
0x2b: {  	v3 =	vld [tilespmem:$0x10];
	_ =	sdelay $0x4  }
0x2c: {  	v49 =	vshll.u32 v3, $0x2  }
0x2d: {  	v3 =	vand.u32 $0x7, v3;
	v4 =	vand.u32 $0xFFFFFFE0, v49  }
0x2e: {  	v3 =	vor.u32 v3, v4  }
0x2f: {  	v4 =	vperm.xlane v3, v0;
	_ =	sdelay $0x1  }
0x30: {  	v4 =	vadd.s32 v1, v4;
	_ =	sdelay $0x1  }
0x31: {  	v3 =	vperm.xlane v3, v2;
	_ =	sdelay $0x1  }
0x32: {  	v3 =	vadd.s32 v1, v3  }
0x33: {  	[tilespmem:s4], [sflag:$0x1] =	stream.indirect_vreg.gather [hbm4b:s2+s3], $0x80, v4, vm0, $0xb8;
	[tilespmem:$0x10100] =	vst v63  }
0x34: {  	_ = 	snop  }
0x35: {  	[tilespmem:s25], [sflag:$0x1] =	stream.indirect_vreg.gather [hbm4b:s5+s3], $0x80, v4, vm0, $0xb8;
	[tilespmem:$0x10100] =	vst v63  }
0x36: {  	_ = 	snop  }
0x37: {  	[tilespmem:s26], [sflag:$0x1] =	stream.indirect_vreg.gather [hbm4b:s2+s3], $0x80, v3, vm0, $0xb8;
	[tilespmem:$0x10100] =	vst v63  }
0x38: {  	_ = 	snop  }
0x39: {  	[tilespmem:s28], [sflag:$0x1] =	stream.indirect_vreg.gather [hbm4b:s5+s3], $0x80, v3, vm0, $0xb8;
	[tilespmem:$0x10100] =	vst v63  }
0x3a: {  	v3 =	vld [tilespmem:$0x20];
	_ =	sdelay $0x4  }
0x3b: {  	v50 =	vshll.u32 v3, $0x2  }
0x3c: {  	v3 =	vand.u32 $0x7, v3;
	v4 =	vand.u32 $0xFFFFFFE0, v50  }
0x3d: {  	v3 =	vor.u32 v3, v4  }
0x3e: {  	v4 =	vperm.xlane v3, v0;
	_ =	sdelay $0x1  }
0x3f: {  	v4 =	vadd.s32 v1, v4;
	_ =	sdelay $0x1  }
0x40: {  	v3 =	vperm.xlane v3, v2;
	_ =	sdelay $0x1  }
0x41: {  	v3 =	vadd.s32 v1, v3  }
0x42: {  	[tilespmem:s29], [sflag:$0x1] =	stream.indirect_vreg.gather [hbm4b:s2+s3], $0x80, v4, vm0, $0xb8;
	[tilespmem:$0x10100] =	vst v63  }
0x43: {  	_ = 	snop  }
0x44: {  	[tilespmem:s30], [sflag:$0x1] =	stream.indirect_vreg.gather [hbm4b:s5+s3], $0x80, v4, vm0, $0xb8;
	[tilespmem:$0x10100] =	vst v63  }
0x45: {  	_ = 	snop  }
0x46: {  	[tilespmem:s31], [sflag:$0x1] =	stream.indirect_vreg.gather [hbm4b:s2+s3], $0x80, v3, vm0, $0xb8;
	[tilespmem:$0x10100] =	vst v63  }
0x47: {  	_ = 	snop  }
0x48: {  	[tilespmem:s1], [sflag:$0x1] =	stream.indirect_vreg.gather [hbm4b:s5+s3], $0x80, v3, vm0, $0xb8;
	[tilespmem:$0x10100] =	vst v63  }
0x49: {  	v3 =	vld [tilespmem:$0x30];
	_ =	sdelay $0x4  }
0x4a: {  	v51 =	vshll.u32 v3, $0x2  }
0x4b: {  	v3 =	vand.u32 $0x7, v3;
	v4 =	vand.u32 $0xFFFFFFE0, v51  }
0x4c: {  	v3 =	vor.u32 v3, v4  }
0x4d: {  	v4 =	vperm.xlane v3, v0;
	_ =	sdelay $0x1  }
0x4e: {  	v4 =	vadd.s32 v1, v4;
	_ =	sdelay $0x1  }
0x4f: {  	v3 =	vperm.xlane v3, v2;
	_ =	sdelay $0x1  }
0x50: {  	s0 =	simm.s32 $0x6100;
	v3 =	vadd.s32 v1, v3  }
0x51: {  	[tilespmem:s0], [sflag:$0x1] =	stream.indirect_vreg.gather [hbm4b:s2+s3], $0x80, v4, vm0, $0xb8;
	[tilespmem:$0x10100] =	vst v63  }
0x52: {  	_ = 	snop  }
0x53: {  	[tilespmem:s9], [sflag:$0x1] =	stream.indirect_vreg.gather [hbm4b:s5+s3], $0x80, v4, vm0, $0xb8;
	[tilespmem:$0x10100] =	vst v63  }
0x54: {  	_ = 	snop  }
0x55: {  	[tilespmem:s10], [sflag:$0x1] =	stream.indirect_vreg.gather [hbm4b:s2+s3], $0x80, v3, vm0, $0xb8;
	[tilespmem:$0x10100] =	vst v63  }
0x56: {  	_ = 	snop  }
0x57: {  	[tilespmem:s11], [sflag:$0x1] =	stream.indirect_vreg.gather [hbm4b:s5+s3], $0x80, v3, vm0, $0xb8;
	[tilespmem:$0x10100] =	vst v63  }
0x58: {  	v3 =	vld [tilespmem:$0x40];
	_ =	sdelay $0x4  }
0x59: {  	v52 =	vshll.u32 v3, $0x2  }
0x5a: {  	v3 =	vand.u32 $0x7, v3;
	v4 =	vand.u32 $0xFFFFFFE0, v52  }
0x5b: {  	v3 =	vor.u32 v3, v4  }
0x5c: {  	v4 =	vperm.xlane v3, v0;
	_ =	sdelay $0x1  }
0x5d: {  	v4 =	vadd.s32 v1, v4;
	_ =	sdelay $0x1  }
0x5e: {  	v3 =	vperm.xlane v3, v2;
	_ =	sdelay $0x1  }
0x5f: {  	v3 =	vadd.s32 v1, v3  }
0x60: {  	[tilespmem:s16], [sflag:$0x2] =	stream.indirect_vreg.gather [hbm4b:s2+s3], $0x80, v4, vm0, $0xb8;
	[tilespmem:$0x10100] =	vst v63  }
0x61: {  	_ = 	snop  }
0x62: {  	[tilespmem:s12], [sflag:$0x2] =	stream.indirect_vreg.gather [hbm4b:s5+s3], $0x80, v4, vm0, $0xb8;
	[tilespmem:$0x10100] =	vst v63  }
0x63: {  	_ = 	snop  }
0x64: {  	[tilespmem:s13], [sflag:$0x2] =	stream.indirect_vreg.gather [hbm4b:s2+s3], $0x80, v3, vm0, $0xb8;
	[tilespmem:$0x10100] =	vst v63  }
0x65: {  	_ = 	snop  }
0x66: {  	[tilespmem:s14], [sflag:$0x2] =	stream.indirect_vreg.gather [hbm4b:s5+s3], $0x80, v3, vm0, $0xb8;
	[tilespmem:$0x10100] =	vst v63  }
0x67: {  	v3 =	vld [tilespmem:$0x50];
	_ =	sdelay $0x4  }
0x68: {  	v53 =	vshll.u32 v3, $0x2  }
0x69: {  	v3 =	vand.u32 $0x7, v3;
	v4 =	vand.u32 $0xFFFFFFE0, v53  }
0x6a: {  	v3 =	vor.u32 v3, v4  }
0x6b: {  	v4 =	vperm.xlane v3, v0;
	_ =	sdelay $0x1  }
0x6c: {  	v4 =	vadd.s32 v1, v4;
	_ =	sdelay $0x1  }
0x6d: {  	v3 =	vperm.xlane v3, v2;
	_ =	sdelay $0x1  }
0x6e: {  	v3 =	vadd.s32 v1, v3  }
0x6f: {  	[tilespmem:s15], [sflag:$0x2] =	stream.indirect_vreg.gather [hbm4b:s2+s3], $0x80, v4, vm0, $0xb8;
	[tilespmem:$0x10100] =	vst v63  }
0x70: {  	s8 =	simm.s32 $0xA900  }
0x71: {  	[tilespmem:s8], [sflag:$0x2] =	stream.indirect_vreg.gather [hbm4b:s5+s3], $0x80, v4, vm0, $0xb8;
	[tilespmem:$0x10100] =	vst v63  }
0x72: {  	s8 =	simm.s32 $0xB100  }
0x73: {  	[tilespmem:s8], [sflag:$0x2] =	stream.indirect_vreg.gather [hbm4b:s2+s3], $0x80, v3, vm0, $0xb8;
	[tilespmem:$0x10100] =	vst v63  }
0x74: {  	s23 =	simm.s32 $0xB900  }
0x75: {  	[tilespmem:s23], [sflag:$0x2] =	stream.indirect_vreg.gather [hbm4b:s5+s3], $0x80, v3, vm0, $0xb8;
	[tilespmem:$0x10100] =	vst v63  }
0x76: {  	v3 =	vld [tilespmem:$0x60];
	_ =	sdelay $0x4  }
0x77: {  	v54 =	vshll.u32 v3, $0x2  }
0x78: {  	v3 =	vand.u32 $0x7, v3;
	v4 =	vand.u32 $0xFFFFFFE0, v54  }
0x79: {  	v3 =	vor.u32 v3, v4  }
0x7a: {  	v4 =	vperm.xlane v3, v0;
	_ =	sdelay $0x1  }
0x7b: {  	v4 =	vadd.s32 v1, v4;
	_ =	sdelay $0x1  }
0x7c: {  	v3 =	vperm.xlane v3, v2;
	_ =	sdelay $0x1  }
0x7d: {  	s23 =	simm.s32 $0xC100;
	v3 =	vadd.s32 v1, v3  }
0x7e: {  	[tilespmem:s23], [sflag:$0x2] =	stream.indirect_vreg.gather [hbm4b:s2+s3], $0x80, v4, vm0, $0xb8;
	[tilespmem:$0x10100] =	vst v63  }
0x7f: {  	s23 =	simm.s32 $0xC900  }
0x80: {  	[tilespmem:s23], [sflag:$0x2] =	stream.indirect_vreg.gather [hbm4b:s5+s3], $0x80, v4, vm0, $0xb8;
	[tilespmem:$0x10100] =	vst v63  }
0x81: {  	s23 =	simm.s32 $0xD100  }
0x82: {  	[tilespmem:s23], [sflag:$0x2] =	stream.indirect_vreg.gather [hbm4b:s2+s3], $0x80, v3, vm0, $0xb8;
	[tilespmem:$0x10100] =	vst v63  }
0x83: {  	s23 =	simm.s32 $0xD900  }
0x84: {  	[tilespmem:s23], [sflag:$0x2] =	stream.indirect_vreg.gather [hbm4b:s5+s3], $0x80, v3, vm0, $0xb8;
	[tilespmem:$0x10100] =	vst v63  }
0x85: {  	v3 =	vld [tilespmem:$0x70];
	_ =	sdelay $0x4  }
0x86: {  	v55 =	vshll.u32 v3, $0x2  }
0x87: {  	v3 =	vand.u32 $0x7, v3;
	v4 =	vand.u32 $0xFFFFFFE0, v55  }
0x88: {  	v3 =	vor.u32 v3, v4  }
0x89: {  	v4 =	vperm.xlane v3, v0;
	_ =	sdelay $0x1  }
0x8a: {  	v4 =	vadd.s32 v1, v4;
	_ =	sdelay $0x1  }
0x8b: {  	v3 =	vperm.xlane v3, v2;
	_ =	sdelay $0x1  }
0x8c: {  	s23 =	simm.s32 $0xE100;
	v3 =	vadd.s32 v1, v3  }
0x8d: {  	[tilespmem:s23], [sflag:$0x2] =	stream.indirect_vreg.gather [hbm4b:s2+s3], $0x80, v4, vm0, $0xb8;
	[tilespmem:$0x10100] =	vst v63  }
0x8e: {  	s23 =	simm.s32 $0xE900  }
0x8f: {  	[tilespmem:s23], [sflag:$0x2] =	stream.indirect_vreg.gather [hbm4b:s5+s3], $0x80, v4, vm0, $0xb8;
	[tilespmem:$0x10100] =	vst v63  }
0x90: {  	s23 =	simm.s32 $0xF100  }
0x91: {  	[tilespmem:s23], [sflag:$0x2] =	stream.indirect_vreg.gather [hbm4b:s2+s3], $0x80, v3, vm0, $0xb8;
	[tilespmem:$0x10100] =	vst v63  }
0x92: {  	s23 =	simm.s32 $0xF900  }
0x93: {  	[tilespmem:s23], [sflag:$0x2] =	stream.indirect_vreg.gather [hbm4b:s5+s3], $0x80, v3, vm0, $0xb8;
	[tilespmem:$0x10100] =	vst v63  }
0x94: {  	_ =	swait.ge [sflag:s7], $0x8000  }
0x95: {  	[sflag:s7] =	ssyncset.done $0x0  }
0x96: {  	s23 =	rddreg [dreg:$0xa];
	[sflag:s7] =	ssyncadd.s32 $0xFFFF8000  }
0x97: {  	[hbm4b:s23+s3] =	stream.linear.scatter [tilespmem:s24], [sflag:$0x3], $0x8000, $0x38;
	[tilespmem:$0x10100] =	vst v63  }
0x98: {  	_ =	swait.ge [sflag:s17], $0x8000  }
0x99: {  	[sflag:s17] =	ssyncset.done $0x0  }
0x9a: {  	[sflag:s17] =	ssyncadd.s32 $0xFFFF8000  }
0x9b: {  	v3 =	vld [tilespmem:$0x80];
	_ =	sdelay $0x4  }
0x9c: {  	v56 =	vshll.u32 v3, $0x2  }
0x9d: {  	v3 =	vand.u32 $0x7, v3;
	v4 =	vand.u32 $0xFFFFFFE0, v56  }
0x9e: {  	v3 =	vor.u32 v3, v4  }
0x9f: {  	v4 =	vperm.xlane v3, v0;
	_ =	sdelay $0x1  }
0xa0: {  	v4 =	vadd.s32 v1, v4;
	_ =	sdelay $0x1  }
0xa1: {  	v3 =	vperm.xlane v3, v2;
	_ =	sdelay $0x1  }
0xa2: {  	v3 =	vadd.s32 v1, v3  }
0xa3: {  	[tilespmem:s24], [sflag:$0x1] =	stream.indirect_vreg.gather [hbm4b:s2+s3], $0x80, v4, vm0, $0xb8;
	[tilespmem:$0x10100] =	vst v63  }
0xa4: {  	_ = 	snop  }
0xa5: {  	[tilespmem:s20], [sflag:$0x1] =	stream.indirect_vreg.gather [hbm4b:s5+s3], $0x80, v4, vm0, $0xb8;
	[tilespmem:$0x10100] =	vst v63  }
0xa6: {  	_ = 	snop  }
0xa7: {  	[tilespmem:s21], [sflag:$0x1] =	stream.indirect_vreg.gather [hbm4b:s2+s3], $0x80, v3, vm0, $0xb8;
	[tilespmem:$0x10100] =	vst v63  }
0xa8: {  	_ = 	snop  }
0xa9: {  	[tilespmem:s22], [sflag:$0x1] =	stream.indirect_vreg.gather [hbm4b:s5+s3], $0x80, v3, vm0, $0xb8;
	[tilespmem:$0x10100] =	vst v63  }
0xaa: {  	v3 =	vld [tilespmem:$0x90];
	_ =	sdelay $0x4  }
0xab: {  	v57 =	vshll.u32 v3, $0x2  }
0xac: {  	v3 =	vand.u32 $0x7, v3;
	v4 =	vand.u32 $0xFFFFFFE0, v57  }
0xad: {  	v3 =	vor.u32 v3, v4  }
0xae: {  	v4 =	vperm.xlane v3, v0;
	_ =	sdelay $0x1  }
0xaf: {  	v4 =	vadd.s32 v1, v4;
	_ =	sdelay $0x1  }
0xb0: {  	v3 =	vperm.xlane v3, v2;
	_ =	sdelay $0x1  }
0xb1: {  	v3 =	vadd.s32 v1, v3  }
0xb2: {  	[tilespmem:s4], [sflag:$0x1] =	stream.indirect_vreg.gather [hbm4b:s2+s3], $0x80, v4, vm0, $0xb8;
	[tilespmem:$0x10100] =	vst v63  }
0xb3: {  	_ = 	snop  }
0xb4: {  	[tilespmem:s25], [sflag:$0x1] =	stream.indirect_vreg.gather [hbm4b:s5+s3], $0x80, v4, vm0, $0xb8;
	[tilespmem:$0x10100] =	vst v63  }
0xb5: {  	_ = 	snop  }
0xb6: {  	[tilespmem:s26], [sflag:$0x1] =	stream.indirect_vreg.gather [hbm4b:s2+s3], $0x80, v3, vm0, $0xb8;
	[tilespmem:$0x10100] =	vst v63  }
0xb7: {  	_ = 	snop  }
0xb8: {  	[tilespmem:s28], [sflag:$0x1] =	stream.indirect_vreg.gather [hbm4b:s5+s3], $0x80, v3, vm0, $0xb8;
	[tilespmem:$0x10100] =	vst v63  }
0xb9: {  	v3 =	vld [tilespmem:$0xA0];
	_ =	sdelay $0x4  }
0xba: {  	v58 =	vshll.u32 v3, $0x2  }
0xbb: {  	v3 =	vand.u32 $0x7, v3;
	v4 =	vand.u32 $0xFFFFFFE0, v58  }
0xbc: {  	v3 =	vor.u32 v3, v4  }
0xbd: {  	v4 =	vperm.xlane v3, v0;
	_ =	sdelay $0x1  }
0xbe: {  	v4 =	vadd.s32 v1, v4;
	_ =	sdelay $0x1  }
0xbf: {  	v3 =	vperm.xlane v3, v2;
	_ =	sdelay $0x1  }
0xc0: {  	v3 =	vadd.s32 v1, v3  }
0xc1: {  	[tilespmem:s29], [sflag:$0x1] =	stream.indirect_vreg.gather [hbm4b:s2+s3], $0x80, v4, vm0, $0xb8;
	[tilespmem:$0x10100] =	vst v63  }
0xc2: {  	_ = 	snop  }
0xc3: {  	[tilespmem:s30], [sflag:$0x1] =	stream.indirect_vreg.gather [hbm4b:s5+s3], $0x80, v4, vm0, $0xb8;
	[tilespmem:$0x10100] =	vst v63  }
0xc4: {  	_ = 	snop  }
0xc5: {  	[tilespmem:s31], [sflag:$0x1] =	stream.indirect_vreg.gather [hbm4b:s2+s3], $0x80, v3, vm0, $0xb8;
	[tilespmem:$0x10100] =	vst v63  }
0xc6: {  	_ = 	snop  }
0xc7: {  	[tilespmem:s1], [sflag:$0x1] =	stream.indirect_vreg.gather [hbm4b:s5+s3], $0x80, v3, vm0, $0xb8;
	[tilespmem:$0x10100] =	vst v63  }
0xc8: {  	v3 =	vld [tilespmem:$0xB0];
	_ =	sdelay $0x4  }
0xc9: {  	v59 =	vshll.u32 v3, $0x2  }
0xca: {  	v3 =	vand.u32 $0x7, v3;
	v4 =	vand.u32 $0xFFFFFFE0, v59  }
0xcb: {  	v3 =	vor.u32 v3, v4  }
0xcc: {  	v4 =	vperm.xlane v3, v0;
	_ =	sdelay $0x1  }
0xcd: {  	v4 =	vadd.s32 v1, v4;
	_ =	sdelay $0x1  }
0xce: {  	v3 =	vperm.xlane v3, v2;
	_ =	sdelay $0x1  }
0xcf: {  	v3 =	vadd.s32 v1, v3  }
0xd0: {  	[tilespmem:s0], [sflag:$0x1] =	stream.indirect_vreg.gather [hbm4b:s2+s3], $0x80, v4, vm0, $0xb8;
	[tilespmem:$0x10100] =	vst v63  }
0xd1: {  	_ = 	snop  }
0xd2: {  	[tilespmem:s9], [sflag:$0x1] =	stream.indirect_vreg.gather [hbm4b:s5+s3], $0x80, v4, vm0, $0xb8;
	[tilespmem:$0x10100] =	vst v63  }
0xd3: {  	_ = 	snop  }
0xd4: {  	[tilespmem:s10], [sflag:$0x1] =	stream.indirect_vreg.gather [hbm4b:s2+s3], $0x80, v3, vm0, $0xb8;
	[tilespmem:$0x10100] =	vst v63  }
0xd5: {  	_ = 	snop  }
0xd6: {  	[tilespmem:s11], [sflag:$0x1] =	stream.indirect_vreg.gather [hbm4b:s5+s3], $0x80, v3, vm0, $0xb8;
	[tilespmem:$0x10100] =	vst v63  }
0xd7: {  	_ =	swait.ge [sflag:s18], $0x8000  }
0xd8: {  	[sflag:s18] =	ssyncset.done $0x0  }
0xd9: {  	s0 =	rddreg [dreg:$0x5];
	[sflag:s18] =	ssyncadd.s32 $0xFFFF8000  }
0xda: {  	[hbm4b:s0+s3] =	stream.linear.scatter [tilespmem:s16], [sflag:$0x4], $0x8000, $0x38;
	[tilespmem:$0x10100] =	vst v63  }
0xdb: {  	_ =	swait.ge [sflag:s19], $0x8000  }
0xdc: {  	[sflag:s19] =	ssyncset.done $0x0  }
0xdd: {  	[sflag:s19] =	ssyncadd.s32 $0xFFFF8000  }
0xde: {  	v3 =	vld [tilespmem:$0xC0];
	_ =	sdelay $0x4  }
0xdf: {  	v60 =	vshll.u32 v3, $0x2  }
0xe0: {  	v3 =	vand.u32 $0x7, v3;
	v4 =	vand.u32 $0xFFFFFFE0, v60  }
0xe1: {  	v3 =	vor.u32 v3, v4  }
0xe2: {  	v4 =	vperm.xlane v3, v0;
	_ =	sdelay $0x1  }
0xe3: {  	v4 =	vadd.s32 v1, v4;
	_ =	sdelay $0x1  }
0xe4: {  	v3 =	vperm.xlane v3, v2;
	_ =	sdelay $0x1  }
0xe5: {  	v3 =	vadd.s32 v1, v3  }
0xe6: {  	[tilespmem:s16], [sflag:$0x2] =	stream.indirect_vreg.gather [hbm4b:s2+s3], $0x80, v4, vm0, $0xb8;
	[tilespmem:$0x10100] =	vst v63  }
0xe7: {  	_ = 	snop  }
0xe8: {  	[tilespmem:s12], [sflag:$0x2] =	stream.indirect_vreg.gather [hbm4b:s5+s3], $0x80, v4, vm0, $0xb8;
	[tilespmem:$0x10100] =	vst v63  }
0xe9: {  	_ = 	snop  }
0xea: {  	[tilespmem:s13], [sflag:$0x2] =	stream.indirect_vreg.gather [hbm4b:s2+s3], $0x80, v3, vm0, $0xb8;
	[tilespmem:$0x10100] =	vst v63  }
0xeb: {  	_ = 	snop  }
0xec: {  	[tilespmem:s14], [sflag:$0x2] =	stream.indirect_vreg.gather [hbm4b:s5+s3], $0x80, v3, vm0, $0xb8;
	[tilespmem:$0x10100] =	vst v63  }
0xed: {  	v3 =	vld [tilespmem:$0xD0];
	_ =	sdelay $0x4  }
0xee: {  	v61 =	vshll.u32 v3, $0x2  }
0xef: {  	v3 =	vand.u32 $0x7, v3;
	v4 =	vand.u32 $0xFFFFFFE0, v61  }
0xf0: {  	v3 =	vor.u32 v3, v4  }
0xf1: {  	v4 =	vperm.xlane v3, v0;
	_ =	sdelay $0x1  }
0xf2: {  	v4 =	vadd.s32 v1, v4;
	_ =	sdelay $0x1  }
0xf3: {  	v3 =	vperm.xlane v3, v2;
	_ =	sdelay $0x1  }
0xf4: {  	v3 =	vadd.s32 v1, v3  }
0xf5: {  	[tilespmem:s15], [sflag:$0x2] =	stream.indirect_vreg.gather [hbm4b:s2+s3], $0x80, v4, vm0, $0xb8;
	[tilespmem:$0x10100] =	vst v63  }
0xf6: {  	s20 =	simm.s32 $0xA900  }
0xf7: {  	[tilespmem:s20], [sflag:$0x2] =	stream.indirect_vreg.gather [hbm4b:s5+s3], $0x80, v4, vm0, $0xb8;
	[tilespmem:$0x10100] =	vst v63  }
0xf8: {  	_ = 	snop  }
0xf9: {  	[tilespmem:s8], [sflag:$0x2] =	stream.indirect_vreg.gather [hbm4b:s2+s3], $0x80, v3, vm0, $0xb8;
	[tilespmem:$0x10100] =	vst v63  }
0xfa: {  	s21 =	simm.s32 $0xB900  }
0xfb: {  	[tilespmem:s21], [sflag:$0x2] =	stream.indirect_vreg.gather [hbm4b:s5+s3], $0x80, v3, vm0, $0xb8;
	[tilespmem:$0x10100] =	vst v63  }
0xfc: {  	v3 =	vld [tilespmem:$0xE0];
	_ =	sdelay $0x4  }
0xfd: {  	v62 =	vshll.u32 v3, $0x2  }
0xfe: {  	v3 =	vand.u32 $0x7, v3;
	v4 =	vand.u32 $0xFFFFFFE0, v62  }
0xff: {  	v3 =	vor.u32 v3, v4  }
0x100: {  	v4 =	vperm.xlane v3, v0;
	_ =	sdelay $0x1  }
0x101: {  	v4 =	vadd.s32 v1, v4;
	_ =	sdelay $0x1  }
0x102: {  	v3 =	vperm.xlane v3, v2;
	_ =	sdelay $0x1  }
0x103: {  	s22 =	simm.s32 $0xC100;
	v3 =	vadd.s32 v1, v3  }
0x104: {  	[tilespmem:s22], [sflag:$0x2] =	stream.indirect_vreg.gather [hbm4b:s2+s3], $0x80, v4, vm0, $0xb8;
	[tilespmem:$0x10100] =	vst v63  }
0x105: {  	s8 =	simm.s32 $0xC900  }
0x106: {  	[tilespmem:s8], [sflag:$0x2] =	stream.indirect_vreg.gather [hbm4b:s5+s3], $0x80, v4, vm0, $0xb8;
	[tilespmem:$0x10100] =	vst v63  }
0x107: {  	s20 =	simm.s32 $0xD100  }
0x108: {  	[tilespmem:s20], [sflag:$0x2] =	stream.indirect_vreg.gather [hbm4b:s2+s3], $0x80, v3, vm0, $0xb8;
	[tilespmem:$0x10100] =	vst v63  }
0x109: {  	s21 =	simm.s32 $0xD900  }
0x10a: {  	[tilespmem:s21], [sflag:$0x2] =	stream.indirect_vreg.gather [hbm4b:s5+s3], $0x80, v3, vm0, $0xb8;
	[tilespmem:$0x10100] =	vst v63  }
0x10b: {  	v3 =	vld [tilespmem:$0xF0];
	_ =	sdelay $0x4  }
0x10c: {  	v63 =	vshll.u32 v3, $0x2  }
0x10d: {  	v3 =	vand.u32 $0x7, v3;
	v4 =	vand.u32 $0xFFFFFFE0, v63  }
0x10e: {  	v3 =	vor.u32 v3, v4  }
0x10f: {  	v4 =	vperm.xlane v3, v0;
	_ =	sdelay $0x1  }
0x110: {  	v4 =	vadd.s32 v1, v4;
	_ =	sdelay $0x1  }
0x111: {  	v3 =	vperm.xlane v3, v2;
	_ =	sdelay $0x1  }
0x112: {  	s22 =	simm.s32 $0xE100;
	v3 =	vadd.s32 v1, v3  }
0x113: {  	[tilespmem:s22], [sflag:$0x2] =	stream.indirect_vreg.gather [hbm4b:s2+s3], $0x80, v4, vm0, $0xb8;
	[tilespmem:$0x10100] =	vst v63  }
0x114: {  	s8 =	simm.s32 $0xE900  }
0x115: {  	[tilespmem:s8], [sflag:$0x2] =	stream.indirect_vreg.gather [hbm4b:s5+s3], $0x80, v4, vm0, $0xb8;
	[tilespmem:$0x10100] =	vst v63  }
0x116: {  	s20 =	simm.s32 $0xF100  }
0x117: {  	[tilespmem:s20], [sflag:$0x2] =	stream.indirect_vreg.gather [hbm4b:s2+s3], $0x80, v3, vm0, $0xb8;
	[tilespmem:$0x10100] =	vst v63  }
0x118: {  	s21 =	simm.s32 $0xF900  }
0x119: {  	[tilespmem:s21], [sflag:$0x2] =	stream.indirect_vreg.gather [hbm4b:s5+s3], $0x80, v3, vm0, $0xb8;
	[tilespmem:$0x10100] =	vst v63  }
0x11a: {  	_ =	swait.ge [sflag:s7], $0x8000  }
0x11b: {  	[sflag:s7] =	ssyncset.done $0x0  }
0x11c: {  	s23 =	simm.s32 $0x100;
	s22 =	rddreg [dreg:$0x6];
	[sflag:s7] =	ssyncadd.s32 $0xFFFF8000  }
0x11d: {  	[hbm4b:s22+s3] =	stream.linear.scatter [tilespmem:s23], [sflag:$0x3], $0x8000, $0x38;
	[tilespmem:$0x10100] =	vst v63  }
0x11e: {  	_ =	swait.ge [sflag:s17], $0x8000  }
0x11f: {  	[sflag:s17] =	ssyncset.done $0x0  }
0x120: {  	[sflag:s17] =	ssyncadd.s32 $0xFFFF8000  }
0x121: {  	_ =	swait.ge [sflag:s18], $0x8000  }
0x122: {  	p0 =	sne.s32 s6, $0x1;
	[sflag:s18] =	ssyncset.done $0x0  }
.Ltmp0:
0x123: {  	s23 =	rddreg [dreg:$0x7];
	[sflag:s18] =	ssyncadd.s32 $0xFFFF8000;
	(pc) =	sbr.rel @p0 .LBB2_1-.Ltmp0, $4  }
0x124: {  	[hbm4b:s23+s3] =	stream.linear.scatter [tilespmem:s16], [sflag:$0x4], $0x8000, $0x38;
	[tilespmem:$0x10100] =	vst v63  }
0x125: {  	_ =	swait.ge [sflag:s19], $0x8000  }
0x126: {  	[sflag:s19] =	ssyncset.done $0x0  }
0x127: {  	s6 =	sadd.s32 $0xFFFFFFFF, s6;
	[sflag:s19] =	ssyncadd.s32 $0xFFFF8000  }
0x128: {  	_ =	sfence.sel $0x180000  }
0x129: {  	[bflag:$0x0] =	sbarrier.arrive $0xFFFF  }
0x12a: {  	_ =	strace $0x90000047  }
0x12b: {  	s0 =	stileid.u32;
	[bflag:$0x2] =	sbarrier.arrive $0xFFFF  }
0x12c: {  	p0 =	sne.s32 s0, $0x0;
	s0 =	rddreg [dreg:$0x3]  }
0x12d: {  	s0 =	sadd.s32 @!p0 $0x100000, s0  }
0x12e: {  	[sflag:s0] =	ssyncadd.tile.s32 @!p0 $0x1;
	_ =	shalt  }
.Lfunc_end2:
_tile_overlayer_lowered:
.L_overlay_start_2:
0x12f: {  	(tag) =	ssettag $0x2  }
0x130: {  	s0 =	rddreg [dreg:$0x0];
	s2 =	stileid.u32  }
0x131: {  	s1 =	rddreg [dreg:$0x1];
	p0 =	sne.s32 s2, $0x0  }
0x132: {  	s3 =	rddreg [dreg:$0x2];
	[bflag:$0x3] =	sbarrier.arrive $0xFFFF;
	s2 =	simm.s32 @!p0 $0x1C05  }
0x133: {  	[timem:s3], [sflag:s2] =	dma.local @!p0 [hbm:s0], s1  }
0x134: {  	s0 =	simm.s32 @!p0 $0x5  }
0x135: {  	_ =	swait.ge @!p0 [sflag:s0], s1  }
0x136: {  	s1 =	ssub.s32 @!p0 $0x0, s1;
	[sflag:s0] =	ssyncset.done @!p0 $0x0  }
0x137: {  	[sflag:s0] =	ssyncadd.s32 @!p0 s1  }
0x138: {  	[bflag:$0x3] =	sbarrier.arrive $0xFFFF  }
0x139: {  	_ =	shalt  }

</sc_bundles>
